<compile_context>
chip_gen: v7x
topology: tpu7x:2x2x1
jax: 0.10.2.dev20260603
libtpu: 0.0.44.dev20260713+nightly
codegen_flags: <defaults>
</compile_context>

<pallas_src>
import jax
import jax.numpy as jnp
import numpy as np
from jax.experimental import pallas as pl
from jax.experimental.pallas import tpu as pltpu

_D = 128
_DB = 32

_G = [1.0, float(np.exp(-0.5)), float(np.exp(-2.0))]


def _m_matrix():
    def g(e):
        e = abs(e)
        return _G[e] if e <= 2 else 0.0

    m = np.zeros((_D, _D), np.float32)
    for d in range(_D):
        for q in range(_D):
            k = sum(g(d + dd - q) for dd in (-1, 0, 1) if 0 <= d + dd < _D)
            m[d, q] = k / 27.0
    return m


_M = _m_matrix()
_M_HI = _M.astype(jnp.bfloat16)
_M_LO = (_M - _M_HI.astype(np.float32)).astype(jnp.bfloat16)


def _splat_pool_kernel(depth_ref, xray_ref, mhi_ref, mlo_ref, out_ref, x_ref):
    db = pl.program_id(1)
    HW = depth_ref.shape[-1]

    @pl.when(db == 0)
    def _():
        depth = depth_ref[0]
        di = jnp.clip((depth * (_D - 1)).astype(jnp.int32), 0, _D - 1)
        q = jax.lax.broadcasted_iota(jnp.int32, (_D, HW), 0)
        x_ref[...] = (q == di).astype(jnp.bfloat16)

    x = x_ref[...]
    w = jax.lax.dot_general(
        mhi_ref[...], x,
        dimension_numbers=(((1,), (0,)), ((), ())),
        preferred_element_type=jnp.float32)
    w = w + jax.lax.dot_general(
        mlo_ref[...], x,
        dimension_numbers=(((1,), (0,)), ((), ())),
        preferred_element_type=jnp.float32)

    p = w * xray_ref[0]

    zh = jnp.zeros((_DB, 128), jnp.float32)
    t = p + jnp.concatenate([zh, p[:, :-128]], axis=1) \
          + jnp.concatenate([p[:, 128:], zh], axis=1)

    lane = jax.lax.broadcasted_iota(jnp.int32, (1, HW), 1) % 128
    zw = jnp.zeros((_DB, 1), jnp.float32)
    sl = jnp.concatenate([zw, t[:, :-1]], axis=1)
    sr = jnp.concatenate([t[:, 1:], zw], axis=1)
    s = t + jnp.where(lane != 0, sl, 0.0) + jnp.where(lane != 127, sr, 0.0)
    out_ref[0] = s


def kernel(depth_map, x_ray):
    B, _, H, W = depth_map.shape
    HW = H * W
    out = pl.pallas_call(
        _splat_pool_kernel,
        grid=(B, _D // _DB),
        in_specs=[
            pl.BlockSpec((1, 1, HW), lambda b, d: (b, 0, 0)),
            pl.BlockSpec((1, 1, HW), lambda b, d: (b, 0, 0)),
            pl.BlockSpec((_DB, _D), lambda b, d: (d, 0)),
            pl.BlockSpec((_DB, _D), lambda b, d: (d, 0)),
        ],
        out_specs=pl.BlockSpec((1, _DB, HW), lambda b, d: (b, d, 0)),
        out_shape=jax.ShapeDtypeStruct((B, _D, HW), jnp.float32),
        scratch_shapes=[pltpu.VMEM((_D, HW), jnp.bfloat16)],
    )(depth_map.reshape(B, 1, HW), x_ray.reshape(B, 1, HW),
      jnp.asarray(_M_HI), jnp.asarray(_M_LO))
    return out.reshape(B, 1, _D, H, W)

# --- scband reference (transcript-rebuilt; emitter-appended) ---
"""Pipeline reference for scband-dental-volume-processor-17411797418423 (READ-ONLY COPY).

The authoritative reference and input builder live on the scoring server;
editing this copy changes nothing except your own understanding.
"""

import jax, jax.numpy as jnp
import numpy as np

VOLUME_SIZE = (128, 128, 128)
DEPTH_RANGE = (0.0, 1.0)


def setup_inputs(seed: int = 0) -> dict:
    key = jax.random.key(seed)
    k1, k2 = jax.random.split(key)
    depth_map = jax.random.uniform(k1, (8, 1, 128, 128), dtype=jnp.float32)
    x_ray = jax.random.uniform(k2, (8, 1, 128, 128), dtype=jnp.float32)
    return {"depth_map": depth_map, "x_ray": x_ray}


def _forward(depth_map, x_ray):
    D, H, W = VOLUME_SIZE
    B = depth_map.shape[0]
    # F.interpolate(..., mode='bilinear', align_corners=False) == jax.image.resize
    # with method='bilinear' (half-pixel centers), antialias=False to match torch.
    depth_resized = jax.image.resize(depth_map, (B, 1, H, W), method='bilinear', antialias=False)
    xray_resized = jax.image.resize(x_ray, (B, 1, H, W), method='bilinear', antialias=False)
    dmin, dmax = DEPTH_RANGE
    normalized_depth = (depth_resized - dmin) / (dmax - dmin)
    # torch .long() truncates toward zero; inputs are non-negative here so
    # astype(int32) matches. Cast is non-differentiable (stop_gradient).
    d_idx = jax.lax.stop_gradient(normalized_depth * (D - 1)).astype(jnp.int32)
    d_idx = jnp.clip(d_idx, 0, D - 1)[:, 0]  # (B, H, W)
    intensity = xray_resized[:, 0]  # (B, H, W)
    vol = jnp.zeros((B, D, H, W), dtype=jnp.float32)
    b_ix = jnp.arange(B)[:, None, None]
    h_ix = jnp.arange(H)[None, :, None]
    w_ix = jnp.arange(W)[None, None, :]
    for off in range(-2, 3):
        dt = d_idx + off
        valid = (dt >= 0) & (dt < D)
        wgt = float(np.exp(-0.5 * off ** 2))
        contrib = intensity * wgt * valid.astype(jnp.float32)
        vol = vol.at[b_ix, jnp.clip(dt, 0, D - 1), h_ix, w_ix].add(contrib)
    vol = vol[:, None]  # (B, 1, D, H, W)
    # F.avg_pool3d(kernel=3, stride=1, padding=1) with count_include_pad=True -> /27
    summed = jax.lax.reduce_window(vol, 0.0, jax.lax.add, (1, 1, 3, 3, 3), (1, 1, 1, 1, 1), 'SAME')
    return summed / 27.0


def reference(depth_map, x_ray):
    return _forward(depth_map, x_ray)

if __name__ == "__main__":
    import jax
    _d = setup_inputs()
    print(jax.jit(kernel)(*tuple(_d.values())))

</pallas_src>

<mosaic_0001>
module attributes {stable_mosaic.version = 14 : i64} {
  func.func @_splat_pool_kernel(%arg0: i32, %arg1: i32, %arg2: memref<1x1x16384xf32, #tpu.memory_space<vmem>>, %arg3: memref<1x1x16384xf32, #tpu.memory_space<vmem>>, %arg4: memref<32x128xbf16, #tpu.memory_space<vmem>>, %arg5: memref<32x128xbf16, #tpu.memory_space<vmem>>, %arg6: memref<1x32x16384xf32, #tpu.memory_space<vmem>>, %arg7: memref<128x16384xbf16, #tpu.memory_space<vmem>>) attributes {dimension_semantics = [#tpu.dimension_semantics<arbitrary>, #tpu.dimension_semantics<arbitrary>], iteration_bounds = array<i64: 8, 4>, scalar_prefetch = 0 : i64, scratch_operands = 1 : i64, tpu.core_type = #tpu.core_type<tc>, window_params = [{transform_indices = @transform_0, window_bounds = array<i64: 1, 1, 16384>}, {transform_indices = @transform_1, window_bounds = array<i64: 1, 1, 16384>}, {transform_indices = @transform_2, window_bounds = array<i64: 32, 128>}, {transform_indices = @transform_3, window_bounds = array<i64: 32, 128>}, {transform_indices = @transform_4, window_bounds = array<i64: 1, 32, 16384>}]} {
    %eq3A = arith.constant 0 : i32
    %eq3A_0 = arith.cmpi eq, %arg1, %eq3A : i32
    %convert_element_type3A = arith.extui %eq3A_0 : i1 to i32
    %cond3A = arith.constant 0 : i32
    %cond3A_1 = arith.cmpi ne, %convert_element_type3A, %cond3A : i32
    scf.if %cond3A_1 {
      %get3A_69 = arith.constant 0 : index
      %get3A_70 = arith.constant 0 : index
      %get3A_71 = arith.constant 0 : index
      %get3A_72 = vector.load %arg2[%get3A_69, %get3A_70, %get3A_71] : memref<1x1x16384xf32, #tpu.memory_space<vmem>>, vector<1x1x16384xf32>
      %get3A_73 = vector.shape_cast %get3A_72 : vector<1x1x16384xf32> to vector<1x16384xf32>
      %mul3A_74 = arith.constant 1.270000e+02 : f32
      %mul3A_75 = vector.broadcast %mul3A_74 : f32 to vector<1x16384xf32>
      %mul3A_76 = arith.mulf %get3A_73, %mul3A_75 : vector<1x16384xf32>
      %convert_element_type3A_77 = arith.fptosi %mul3A_76 : vector<1x16384xf32> to vector<1x16384xi32>
      %jit3A_78 = arith.constant 0 : i32
      %jit3A_79 = arith.constant 127 : i32
      %max3A = vector.broadcast %jit3A_78 : i32 to vector<1x16384xi32>
      %max3A_80 = arith.maxsi %max3A, %convert_element_type3A_77 : vector<1x16384xi32>
      %min3A = vector.broadcast %jit3A_79 : i32 to vector<1x16384xi32>
      %min3A_81 = arith.minsi %min3A, %max3A_80 : vector<1x16384xi32>
      %iota3A_82 = tpu.iota {dimensions = array<i32: 0>} : vector<128x16384xi32>
      %eq3A_83 = vector.broadcast %min3A_81 : vector<1x16384xi32> to vector<128x16384xi32>
      %eq3A_84 = arith.cmpi eq, %iota3A_82, %eq3A_83 : vector<128x16384xi32>
      %convert_element_type3A_85 = arith.extui %eq3A_84 : vector<128x16384xi1> to vector<128x16384xi32>
      %convert_element_type3A_86 = arith.sitofp %convert_element_type3A_85 : vector<128x16384xi32> to vector<128x16384xf32>
      %convert_element_type3A_87 = arith.truncf %convert_element_type3A_86 : vector<128x16384xf32> to vector<128x16384xbf16>
      %swap3A_88 = arith.constant 0 : index
      %swap3A_89 = arith.constant 0 : index
      %swap3A_90 = vector.load %arg7[%swap3A_88, %swap3A_89] : memref<128x16384xbf16, #tpu.memory_space<vmem>>, vector<128x16384xbf16>
      tpu.vector_store %arg7[%swap3A_88, %swap3A_89], %convert_element_type3A_87 {strides = array<i32>} : memref<128x16384xbf16, #tpu.memory_space<vmem>>, vector<128x16384xbf16>,
    } else {
    }
    %get3A = arith.constant 0 : index
    %get3A_2 = arith.constant 0 : index
    %get3A_3 = vector.load %arg7[%get3A, %get3A_2] : memref<128x16384xbf16, #tpu.memory_space<vmem>>, vector<128x16384xbf16>
    %get3A_4 = arith.constant 0 : index
    %get3A_5 = arith.constant 0 : index
    %get3A_6 = vector.load %arg4[%get3A_4, %get3A_5] : memref<32x128xbf16, #tpu.memory_space<vmem>>, vector<32x128xbf16>
    %dot_general3A = arith.constant dense<0.000000e+00> : vector<32x16384xf32>
    %dot_general3A_7 = tpu.matmul %get3A_6, %get3A_3, %dot_general3A {dimension_numbers = #tpu.dot_dimension_numbers<[1], [0], [0], [1], [0, 0, 1, 1], [], []>, transpose_lhs_hint = false} : vector<32x128xbf16>, vector<128x16384xbf16>, vector<32x16384xf32> -> vector<32x16384xf32>
    %get3A_8 = arith.constant 0 : index
    %get3A_9 = arith.constant 0 : index
    %get3A_10 = vector.load %arg5[%get3A_8, %get3A_9] : memref<32x128xbf16, #tpu.memory_space<vmem>>, vector<32x128xbf16>
    %dot_general3A_11 = arith.constant dense<0.000000e+00> : vector<32x16384xf32>
    %dot_general3A_12 = tpu.matmul %get3A_10, %get3A_3, %dot_general3A_11 {dimension_numbers = #tpu.dot_dimension_numbers<[1], [0], [0], [1], [0, 0, 1, 1], [], []>, transpose_lhs_hint = false} : vector<32x128xbf16>, vector<128x16384xbf16>, vector<32x16384xf32> -> vector<32x16384xf32>
    %add3A = arith.addf %dot_general3A_7, %dot_general3A_12 : vector<32x16384xf32>
    %get3A_13 = arith.constant 0 : index
    %get3A_14 = arith.constant 0 : index
    %get3A_15 = arith.constant 0 : index
    %get3A_16 = vector.load %arg3[%get3A_13, %get3A_14, %get3A_15] : memref<1x1x16384xf32, #tpu.memory_space<vmem>>, vector<1x1x16384xf32>
    %get3A_17 = vector.shape_cast %get3A_16 : vector<1x1x16384xf32> to vector<1x16384xf32>
    %mul3A = vector.broadcast %get3A_17 : vector<1x16384xf32> to vector<32x16384xf32>
    %mul3A_18 = arith.mulf %add3A, %mul3A : vector<32x16384xf32>
    %broadcast_in_dim3A = arith.constant 0.000000e+00 : f32
    %broadcast_in_dim3A_19 = vector.broadcast %broadcast_in_dim3A : f32 to vector<32x128xf32>
    %slice3A = vector.extract_strided_slice %mul3A_18 {offsets = [0, 0], sizes = [32, 16256], strides = [1, 1]} : vector<32x16384xf32> to vector<32x16256xf32>
    %concatenate3A = tpu.concatenate %broadcast_in_dim3A_19, %slice3A in 1 : vector<32x128xf32>, vector<32x16256xf32> -> vector<32x16384xf32>
    %add3A_20 = arith.addf %mul3A_18, %concatenate3A : vector<32x16384xf32>
    %slice3A_21 = vector.extract_strided_slice %mul3A_18 {offsets = [0, 128], sizes = [32, 16256], strides = [1, 1]} : vector<32x16384xf32> to vector<32x16256xf32>
    %concatenate3A_22 = tpu.concatenate %slice3A_21, %broadcast_in_dim3A_19 in 1 : vector<32x16256xf32>, vector<32x128xf32> -> vector<32x16384xf32>
    %add3A_23 = arith.addf %add3A_20, %concatenate3A_22 : vector<32x16384xf32>
    %iota3A = tpu.iota {dimensions = array<i32: 1>} : vector<1x16384xi32>
    %jit3A = arith.constant 128 : i32
    %eq3A_24 = arith.constant 0 : i32
    %eq3A_25 = arith.cmpi eq, %jit3A, %eq3A_24 : i32
    %jit3A_26 = arith.constant 1 : i32
    %select_n3A = arith.select %eq3A_25, %jit3A_26, %jit3A : i32
    %rem3A = vector.broadcast %select_n3A : i32 to vector<1x16384xi32>
    %rem3A_27 = arith.remsi %iota3A, %rem3A : vector<1x16384xi32>
    %ne3A = arith.constant 0 : i32
    %ne3A_28 = vector.broadcast %ne3A : i32 to vector<1x16384xi32>
    %ne3A_29 = arith.cmpi ne, %rem3A_27, %ne3A_28 : vector<1x16384xi32>
    %lt3A = arith.constant 0 : i32
    %lt3A_30 = vector.broadcast %lt3A : i32 to vector<1x16384xi32>
    %lt3A_31 = arith.cmpi slt, %rem3A_27, %lt3A_30 : vector<1x16384xi32>
    %lt3A_32 = arith.constant 0 : i32
    %lt3A_33 = arith.cmpi slt, %select_n3A, %lt3A_32 : i32
    %ne3A_34 = vector.broadcast %lt3A_33 : i1 to vector<1x16384xi1>
    %ne3A_35 = vector.broadcast %ne3A_34 : vector<1x16384xi1> to vector<1x16384xi1>
    %ne3A_36 = arith.xori %lt3A_31, %ne3A_35 : vector<1x16384xi1>
    %and3A = arith.andi %ne3A_36, %ne3A_29 : vector<1x16384xi1>
    %add3A_37 = vector.broadcast %select_n3A : i32 to vector<1x16384xi32>
    %add3A_38 = arith.addi %rem3A_27, %add3A_37 : vector<1x16384xi32>
    %select_n3A_39 = arith.select %and3A, %add3A_38, %rem3A_27 : vector<1x16384xi1>, vector<1x16384xi32>
    %broadcast_in_dim3A_40 = arith.constant 0.000000e+00 : f32
    %broadcast_in_dim3A_41 = vector.broadcast %broadcast_in_dim3A_40 : f32 to vector<32x1xf32>
    %slice3A_42 = vector.extract_strided_slice %add3A_23 {offsets = [0, 0], sizes = [32, 16383], strides = [1, 1]} : vector<32x16384xf32> to vector<32x16383xf32>
    %concatenate3A_43 = tpu.concatenate %broadcast_in_dim3A_41, %slice3A_42 in 1 : vector<32x1xf32>, vector<32x16383xf32> -> vector<32x16384xf32>
    %slice3A_44 = vector.extract_strided_slice %add3A_23 {offsets = [0, 1], sizes = [32, 16383], strides = [1, 1]} : vector<32x16384xf32> to vector<32x16383xf32>
    %concatenate3A_45 = tpu.concatenate %slice3A_44, %broadcast_in_dim3A_41 in 1 : vector<32x16383xf32>, vector<32x1xf32> -> vector<32x16384xf32>
    %ne3A_46 = arith.constant 0 : i32
    %ne3A_47 = vector.broadcast %ne3A_46 : i32 to vector<1x16384xi32>
    %ne3A_48 = arith.cmpi ne, %select_n3A_39, %ne3A_47 : vector<1x16384xi32>
    %jit3A_49 = arith.constant 0.000000e+00 : f32
    %broadcast_in_dim3A_50 = vector.shape_cast %ne3A_48 : vector<1x16384xi1> to vector<1x16384xi1>
    %broadcast_in_dim3A_51 = vector.broadcast %broadcast_in_dim3A_50 : vector<1x16384xi1> to vector<32x16384xi1>
    %broadcast_in_dim3A_52 = vector.broadcast %jit3A_49 : f32 to vector<32x16384xf32>
    %select_n3A_53 = arith.select %broadcast_in_dim3A_51, %concatenate3A_43, %broadcast_in_dim3A_52 : vector<32x16384xi1>, vector<32x16384xf32>
    %add3A_54 = arith.addf %add3A_23, %select_n3A_53 : vector<32x16384xf32>
    %ne3A_55 = arith.constant 127 : i32
    %ne3A_56 = vector.broadcast %ne3A_55 : i32 to vector<1x16384xi32>
    %ne3A_57 = arith.cmpi ne, %select_n3A_39, %ne3A_56 : vector<1x16384xi32>
    %jit3A_58 = arith.constant 0.000000e+00 : f32
    %broadcast_in_dim3A_59 = vector.shape_cast %ne3A_57 : vector<1x16384xi1> to vector<1x16384xi1>
    %broadcast_in_dim3A_60 = vector.broadcast %broadcast_in_dim3A_59 : vector<1x16384xi1> to vector<32x16384xi1>
    %broadcast_in_dim3A_61 = vector.broadcast %jit3A_58 : f32 to vector<32x16384xf32>
    %select_n3A_62 = arith.select %broadcast_in_dim3A_60, %concatenate3A_45, %broadcast_in_dim3A_61 : vector<32x16384xi1>, vector<32x16384xf32>
    %add3A_63 = arith.addf %add3A_54, %select_n3A_62 : vector<32x16384xf32>
    %swap3A = arith.constant 0 : index
    %swap3A_64 = arith.constant 0 : index
    %swap3A_65 = arith.constant 0 : index
    %swap3A_66 = vector.load %arg6[%swap3A, %swap3A_64, %swap3A_65] : memref<1x32x16384xf32, #tpu.memory_space<vmem>>, vector<1x32x16384xf32>
    %swap3A_67 = vector.shape_cast %swap3A_66 : vector<1x32x16384xf32> to vector<32x16384xf32>
    %swap3A_68 = vector.shape_cast %add3A_63 : vector<32x16384xf32> to vector<1x32x16384xf32>
    tpu.vector_store %arg6[%swap3A, %swap3A_64, %swap3A_65], %swap3A_68 {strides = array<i32>} : memref<1x32x16384xf32, #tpu.memory_space<vmem>>, vector<1x32x16384xf32>,
    return
  }
  func.func @transform_0(%arg0: i32, %arg1: i32) -> (i32, i32, i32) {
    %c0_i32 = arith.constant 0 : i32
    %c0_i32_0 = arith.constant 0 : i32
    %c0_i32_1 = arith.constant 0 : i32
    return %arg0, %c0_i32, %c0_i32_0 : i32, i32, i32
  }
  func.func @transform_1(%arg0: i32, %arg1: i32) -> (i32, i32, i32) {
    %c0_i32 = arith.constant 0 : i32
    %c0_i32_0 = arith.constant 0 : i32
    %c0_i32_1 = arith.constant 0 : i32
    return %arg0, %c0_i32, %c0_i32_0 : i32, i32, i32
  }
  func.func @transform_2(%arg0: i32, %arg1: i32) -> (i32, i32) {
    %c0_i32 = arith.constant 0 : i32
    %c0_i32_0 = arith.constant 0 : i32
    return %arg1, %c0_i32 : i32, i32
  }
  func.func @transform_3(%arg0: i32, %arg1: i32) -> (i32, i32) {
    %c0_i32 = arith.constant 0 : i32
    %c0_i32_0 = arith.constant 0 : i32
    return %arg1, %c0_i32 : i32, i32
  }
  func.func @transform_4(%arg0: i32, %arg1: i32) -> (i32, i32, i32) {
    %c0_i32 = arith.constant 0 : i32
    %c0_i32_0 = arith.constant 0 : i32
    return %arg0, %arg1, %c0_i32 : i32, i32, i32
  }
}

</mosaic_0001>

<sc_bundles>
// kernel: sparse-core-data-format-call.cloned.1.call-start
scs
called_computation_lowered:
.L_overlay_start_0:
0x0: {  	s2 =	sld [smem:$0x3FD9]  }
0x1: {  	s3 =	sld [smem:$0x3FFE];
	_ =	sdelay $0x1  }
0x2: {  	s1 =	srdreg.scid  }
0x3: {  	s0 =	sand.u32 $0x1, s1  }
0x4: {  	s18 =	sshll.u32 s0, $0xA;
	s2 =	sadd.s32 s3, s2  }
0x5: {  	s2 =	sadd.s32 s2, s18  }
0x6: {  	[smem:$0x3FC6] =	sst s2  }
0x7: {  	_ = 	snop  }
0x8: {  	s2 =	sld [smem:$0x3FD0];
	(tm) =	ssettm $0x1  }
0x9: {  	s19 =	sld [smem:$0x3FFB];
	_ =	sdelay $0x3  }
0xa: {  	_ =	strace s19  }
0xb: {  	s3 =	sld [smem:$0x3FFC];
	_ =	sdelay $0x3  }
0xc: {  	_ =	strace s3  }
0xd: {  	s3 =	sld [smem:$0x3FFD];
	_ =	sdelay $0x3  }
0xe: {  	_ =	strace s3  }
0xf: {  	_ =	strace $0x8FFFFFFF  }
0x10: {  	s20 =	sld [smem:$0x3FDB];
	_ =	sdelay $0x1  }
0x11: {  	s4 =	simm.s32 $_scs_section_size  }
0x12: {  	s5 =	simm.s32 $_size__tile_overlayer_lowered;
	s6 =	simm.s32 $_tile_overlayer_lowered  }
0x13: {  	s23 =	simm.s32 $0x1BFF;
	s22 =	sshll.u32 s6, $0x1;
	s3 =	sadd.s32 s4, s20  }
0x14: {  	s7 =	simm.s32 $0x0;
	s21 =	sshll.u32 s5, $0x1;
	s5 =	sadd.s32 s22, s3  }
0x15: {  	[timem:s7], [sflag:s23] =	dma.local [hbm:s5], s21  }
0x16: {  	_ =	swait.ge [sflag:s23], s21  }
0x17: {  	s4 =	ssub.s32 $0x0, s21;
	[sflag:s23] =	ssyncset.done $0x0  }
0x18: {  	[sflag:s23] =	ssyncadd.s32 s4;
	_ =	sdelay $0x1  }
0x19: {  	s24 =	simm.s32 $0x1B8B  }
0x1a: {  	_ =	swait.ge [sflag:s24], $0x1  }
0x1b: {  	[sflag:s24] =	ssyncset.done $0x0  }
0x1c: {  	s26 =	simm.s32 $0x1B8E;
	s25 =	sld [smem:$0x3FFE];
	[sflag:s24] =	ssyncadd.s32 $0xFFFFFFFF  }
0x1d: {  	s27 =	simm.s32 $execute0_lowered;
	[smem:$0x3FD2] =	sst s26  }
0x1e: {  	s5 =	sshll.u32 s27, $0x1;
	_ =	strace $0x80000046;
	[dreg:$0x1] =	wrdreg $0xFFFFFFFF  }
0x1f: {  	s28 =	simm.s32 $_size_execute0_lowered;
	s3 =	sadd.s32 s3, s5;
	[dreg:$0x0] =	wrdreg $0x0  }
0x20: {  	s5 =	sshll.u32 s28, $0x1;
	[dreg:$0x2] =	wrdreg s3  }
0x21: {  	[dreg:$0x3] =	wrdreg s5  }
0x22: {  	[dreg:$0x4] =	wrdreg $0xC0  }
0x23: {  	_ =	task [dreg:s7], $0x5FFFF  }
0x24: {  	[dreg:$0x1] =	wrdreg $0xFFFFFFFF  }
0x25: {  	[dreg:$0x0] =	wrdreg $0x60  }
0x26: {  	[dreg:$0x2] =	wrdreg s25  }
0x27: {  	[dreg:$0x3] =	wrdreg s2  }
0x28: {  	[dreg:$0x4] =	wrdreg $0x9  }
0x29: {  	_ =	task.clear_ibuf [dreg:s7], $0x5FFFF;
	_ =	strace $0x90000046  }
0x2a: {  	s29 =	simm.s32 $0x9;
	_ =	strace $0x80000048  }
0x2b: {  	_ =	swait.ge [sflag:s29], $0x1  }
0x2c: {  	[sflag:s29] =	ssyncadd.s32 $0xFFFFFFFF  }
0x2d: {  	_ =	strace $0x90000048  }
0x2e: {  	_ =	sfence  }
0x2f: {  	s30 =	sld [smem:$0x0];
	_ =	sdelay $0x2  }
0x30: {  	s31 =	sshll.u32 s1, $0xD;
	s1 =	sshrl.u32 s1, $0x2  }
0x31: {  	s3 =	sand.u32 $0x4000, s31;
	s1 =	sadd.s32 s1, s30  }
0x32: {  	s0 =	sor.u32 s3, s0;
	s1 =	sshll.u32 s1, $0x11  }
0x33: {  	s0 =	sor.u32 s1, s0  }
0x34: {  	s0 =	sadd.s32 $0x8F2B, s0  }
0x35: {  	[sflag:s0] =	ssyncadd.remote.s32 $0x1  }
0x36: {  	_ =	sfence.sel $0xFFFF  }
0x37: {  	[dreg:$0x0] =	wrdreg $0xFFFFFFFF;
	(pc) =	sbr.abs _section_cstart, $3  }
0x38: {  	[dreg:$0x1] =	wrdreg $0xFFFFFFFF  }
0x39: {  	_ =	task.clear_ibuf [dreg:s7], $0x2FFFF;
	_ =	strace $0x9FFFFFFF  }
0x3a: {  	(tm) =	ssettm $0x7FFFFFFF  }
0x3b: {  	_ =	shalt  }
tec
execute0_lowered:
.L_overlay_start_1:
0x0: {  	(tag) =	ssettag $0x1  }
0x1: {  	s1 =	rddreg [dreg:$0x0]  }
0x2: {  	s2 =	rddreg [dreg:$0x1]  }
0x3: {  	s0 =	rddreg [dreg:$0x2];
	_ =	strace $0x80000047;
	s4 =	srdreg.scid  }
0x4: {  	s6 =	simm.s32 $0x2;
	s11 =	simm.s32 $0x0;
	p0 =	por $0x0, $0x0  }
.Ltmp0:
0x5: {  	s7 =	simm.s32 $0x4000;
	s12 =	simm.s32 $0x0;
	(pc) =	sbr.rel .LBB1_1-.Ltmp0, $4  }
0x6: {  	s9 =	simm.s32 $0x0;
	s3 =	sadd.s32 $0xC00, s1;
	s5 =	sshll.u32 s4, $0x4  }
0x7: {  	s1 =	stileid.u32;
	s4 =	simm.s32 $0x1;
	s5 =	sand.u32 $0x10, s5  }
0x8: {  	s8 =	simm.s32 $0x0;
	[sflag:s4] =	ssyncpa.u1 $0x0;
	s5 =	sor.u32 s1, s5  }
0x9: {  	[sflag:s6] =	ssyncpa.u1 $0x0;
	s6 =	simm.s32 $0x800;
	s10 =	smov.u32 s5  }
.LBB1_7:
0xa: {  	s13 =	sadd.s32 $0x10, s9  }
0xb: {  	s11 =	sadd.s32 $0x20, s10;
	s15 =	smov.u32 s10;
	p2 =	sgt.s32 s13, $0x7F  }
0xc: {  	p1 =	slt.u32 s8, $0x2;
	s15 =	smov.u32 @p2 s11  }
0xd: {  	s8 =	sadd.s32 $0x1, s8;
	s13 =	simm.s32 @p2 $0x0;
	p2 =	sgt.s32 s15, $0x7F  }
0xe: {  	s15 =	smov.u32 @p2 s5;
	p2 =	sne.s32 s8, $0x22  }
.Ltmp1:
0xf: {  	_ = 	snop;
	(pc) =	sbr.rel @!p2 .LBB1_8-.Ltmp1, $4  }
0x10: {  	s14 =	simm.s32 @!p1 $0x2  }
0x11: {  	s12 =	smov.u32 s10;
	_ =	swait.ge @!p1 [sflag:s14], $0x4000  }
0x12: {  	p0 =	por !p0, !p0;
	s11 =	smov.u32 s9;
	[sflag:s14] =	ssyncset.done @!p1 $0x0  }
0x13: {  	s9 =	smov.u32 s13;
	[sflag:s14] =	ssyncadd.s32 @!p1 $0xFFFFC000;
	s10 =	smov.u32 s15  }
.LBB1_1:
0x14: {  	p1 =	sgt.u32 s8, $0x1F  }
0x15: {  	s13 =	sxor.u32 @!p1 $0xFFFFFFFF, s8;
	s14 =	sshll.u32 @!p1 s10, $0xE  }
0x16: {  	s15 =	sshll.u32 @!p1 s9, $0x7;
	s13 =	sshll.u32 @!p1 s13, $0xE;
	s14 =	sadd.s32 @!p1 s3, s14  }
0x17: {  	s13 =	sand.u32 @!p1 $0x4000, s13;
	s14 =	sadd.s32 @!p1 s15, s14;
	s15 =	simm.s32 @!p1 $0x0  }
0x18: {  	[tilespmem:s13], [sflag:$0x1] =	stream.linear.gather @!p1 [hbm4b:s14+s15], $0x4000, $0x38;
	[tilespmem:$0x10000] =	vst v63  }
0x19: {  	p1 =	seq.s32 s8, $0x0  }
0x1a: {  	p2 =	seq.s32 @!p1 s8, $0x21  }
0x1b: {  	p1 =	por p1, p2  }
.Ltmp2:
0x1c: {  	_ = 	snop;
	(pc) =	sbr.rel @p1 .LBB1_7-.Ltmp2, $1  }
0x1d: {  	_ =	sdelay $0x3  }
0x1e: {  	s13 =	simm.s32 $0x1;
	_ =	swait.ge [sflag:s4], $0x4000;
	s16 =	sshll.u32 s8, $0xE  }
0x1f: {  	s13 =	simm.s32 @!p0 $0x0;
	[sflag:s4] =	ssyncset.done $0x0;
	s31 =	sand.u32 $0x4000, s16  }
0x20: {  	s16 =	simm.s32 $0x0;
	s14 =	sshll.u32 s13, $0xE;
	[sflag:s4] =	ssyncadd.s32 $0xFFFFC000  }
0x21: {  	s13 =	sor.u32 $0x8040, s14;
	s15 =	sor.u32 $0x40, s14;
	s14 =	sor.u32 $0x8000, s31  }
.LBB1_3:
0x22: {  	v0 =	vmov s15;
	_ =	sdelay $0x3  }
0x23: {  	s18 =	simm.s32 $0x0  }
0x24: {  	v6 =	vld.idx.msk [tilespmem:v0+s18+$0x30 ss:$0x1], $0xffff  }
0x25: {  	v7 =	vld.idx.msk [tilespmem:v0+s18+$0xFFFFFFC0 ss:$0x1], $0xffff  }
0x26: {  	v5 =	vld.idx.msk [tilespmem:v0+s18+$0xFFFFFFD0 ss:$0x1], $0xffff  }
0x27: {  	v4 =	vld.idx.msk [tilespmem:v0+s18+$0xFFFFFFE0 ss:$0x1], $0xffff  }
0x28: {  	v3 =	vld.idx.msk [tilespmem:v0+s18+$0xFFFFFFF0 ss:$0x1], $0xffff  }
0x29: {  	v1 =	vld.idx.msk [tilespmem:v0+s18+$0x0 ss:$0x1], $0xffff  }
0x2a: {  	v2 =	vld.idx.msk [tilespmem:v0+s18+$0x10 ss:$0x1], $0xffff;
	[tilespmem:s13+$0x30] =	vst v6  }
0x2b: {  	s17 =	simm.s32 $0x80;
	s19 =	simm.s32 $0x400;
	[tilespmem:s13+$0xFFFFFFC0] =	vst v7;
	v6 =	vld.idx.msk [tilespmem:v0+s18+$0x20 ss:$0x1], $0xffff;
	s18 =	smov.u32 s13  }
.LBB1_4:
0x2c: {  	p1 =	sne.s32 s19, $0xE00;
	v7 =	vld.idx.msk [tilespmem:v0+s17+$0x30 ss:$0x1], $0xffff;
	[tilespmem:s18+$0xFFFFFFD0] =	vst v5  }
0x2d: {  	v8 =	vld.idx.msk [tilespmem:v0+s17+$0xFFFFFFC0 ss:$0x1], $0xffff;
	[tilespmem:s18+$0xFFFFFFE0] =	vst v4  }
0x2e: {  	v5 =	vld.idx.msk [tilespmem:v0+s17+$0xFFFFFFD0 ss:$0x1], $0xffff;
	[tilespmem:s18+$0xFFFFFFF0] =	vst v3  }
.Ltmp3:
0x2f: {  	v4 =	vld.idx.msk [tilespmem:v0+s17+$0xFFFFFFE0 ss:$0x1], $0xffff;
	[tilespmem:s18+$0x0] =	vst v1;
	(pc) =	sbr.rel @p1 .LBB1_4-.Ltmp3, $4  }
0x30: {  	v3 =	vld.idx.msk [tilespmem:v0+s17+$0xFFFFFFF0 ss:$0x1], $0xffff;
	[tilespmem:s18+$0x10] =	vst v2  }
0x31: {  	v1 =	vld.idx.msk [tilespmem:v0+s17+$0x0 ss:$0x1], $0xffff;
	[tilespmem:s18+$0x20] =	vst v6;
	s18 =	sadd.s32 $0x800, s18  }
0x32: {  	v2 =	vld.idx.msk [tilespmem:v0+s17+$0x10 ss:$0x1], $0xffff;
	[tilespmem:s18+$0x30] =	vst v7  }
0x33: {  	[tilespmem:s18+$0xFFFFFFC0] =	vst v8;
	v6 =	vld.idx.msk [tilespmem:v0+s17+$0x20 ss:$0x1], $0xffff;
	s17 =	sshra.s32 s19, $0x2;
	s19 =	sadd.s32 $0x200, s19  }
0x34: {  	_ =	sdelay $0x2  }
0x35: {  	[tilespmem:s18+$0xFFFFFFD0] =	vst v5  }
0x36: {  	v56 =	vld.idx.msk [tilespmem:v0+s17+$0x30 ss:$0x1], $0xffff;
	[tilespmem:s18+$0xFFFFFFE0] =	vst v4  }
0x37: {  	v57 =	vld.idx.msk [tilespmem:v0+s17+$0xFFFFFFC0 ss:$0x1], $0xffff;
	[tilespmem:s18+$0xFFFFFFF0] =	vst v3  }
0x38: {  	v58 =	vld.idx.msk [tilespmem:v0+s17+$0xFFFFFFD0 ss:$0x1], $0xffff;
	[tilespmem:s18+$0x0] =	vst v1  }
0x39: {  	v59 =	vld.idx.msk [tilespmem:v0+s17+$0xFFFFFFE0 ss:$0x1], $0xffff;
	[tilespmem:s18+$0x10] =	vst v2  }
0x3a: {  	v60 =	vld.idx.msk [tilespmem:v0+s17+$0xFFFFFFF0 ss:$0x1], $0xffff;
	s31 =	sadd.s32 $0x800, s18;
	[tilespmem:s18+$0x20] =	vst v6  }
0x3b: {  	v61 =	vld.idx.msk [tilespmem:v0+s17+$0x0 ss:$0x1], $0xffff;
	[tilespmem:s31+$0x30] =	vst v56  }
0x3c: {  	v62 =	vld.idx.msk [tilespmem:v0+s17+$0x10 ss:$0x1], $0xffff;
	s16 =	sadd.s32 $0x1, s16;
	[tilespmem:s31+$0xFFFFFFC0] =	vst v57  }
0x3d: {  	v63 =	vld.idx.msk [tilespmem:v0+s17+$0x20 ss:$0x1], $0xffff;
	p1 =	sne.s32 s16, $0x10;
	[tilespmem:s31+$0xFFFFFFD0] =	vst v58  }
.Ltmp4:
0x3e: {  	[tilespmem:s31+$0xFFFFFFE0] =	vst v59;
	(pc) =	sbr.rel @p1 .LBB1_3-.Ltmp4, $4  }
0x3f: {  	[tilespmem:s31+$0xFFFFFFF0] =	vst v60  }
0x40: {  	[tilespmem:s31+$0x0] =	vst v61  }
0x41: {  	[tilespmem:s31+$0x10] =	vst v62  }
0x42: {  	s13 =	sadd.s32 $0x80, s13;
	s15 =	sadd.s32 $0x400, s15;
	[tilespmem:s31+$0x20] =	vst v63  }
.Ltmp5:
0x43: {  	(pc) =	sbr.rel .LBB1_7-.Ltmp5, $4  }
0x44: {  	s12 =	sshll.u32 s12, $0xE;
	s11 =	sshll.u32 s11, $0x4  }
0x45: {  	s11 =	sand.u32 $0x7F0, s11;
	s12 =	sadd.s32 s2, s12  }
0x46: {  	s11 =	sadd.s32 s11, s12  }
0x47: {  	[hbm4b:s11+s6] =	stream.strided.scatter [tilespmem:s14], [sflag:$0x2], $0x4000, s7, s6, $0x38;
	[tilespmem:$0x10000] =	vst v63  }
.LBB1_8:
0x48: {  	_ =	sfence.sel $0x180000  }
0x49: {  	s2 =	simm.s32 $0x1;
	[bflag:$0x0] =	sbarrier.arrive $0xFFFF  }
0x4a: {  	s31 =	simm.s32 $0x2;
	[sflag:s2] =	ssyncpa.u1 $0x1  }
0x4b: {  	[sflag:s31] =	ssyncpa.u1 $0x1  }
0x4c: {  	p0 =	sne.s32 s1, $0x0;
	_ =	strace $0x90000047  }
0x4d: {  	s0 =	sadd.s32 @!p0 $0x100000, s0;
	[bflag:$0x2] =	sbarrier.arrive $0xFFFF  }
0x4e: {  	[sflag:s0] =	ssyncadd.tile.s32 @!p0 $0x1;
	_ =	shalt  }
.Lfunc_end1:
_tile_overlayer_lowered:
.L_overlay_start_2:
0x4f: {  	(tag) =	ssettag $0x2  }
0x50: {  	s0 =	rddreg [dreg:$0x0];
	s2 =	stileid.u32  }
0x51: {  	s1 =	rddreg [dreg:$0x1];
	p0 =	sne.s32 s2, $0x0  }
0x52: {  	s3 =	rddreg [dreg:$0x2];
	[bflag:$0x3] =	sbarrier.arrive $0xFFFF;
	s2 =	simm.s32 @!p0 $0x1C01  }
0x53: {  	[timem:s3], [sflag:s2] =	dma.local @!p0 [hbm:s0], s1  }
0x54: {  	s0 =	simm.s32 @!p0 $0x1  }
0x55: {  	_ =	swait.ge @!p0 [sflag:s0], s1  }
0x56: {  	s1 =	ssub.s32 @!p0 $0x0, s1;
	[sflag:s0] =	ssyncset.done @!p0 $0x0  }
0x57: {  	[sflag:s0] =	ssyncadd.s32 @!p0 s1  }
0x58: {  	[bflag:$0x3] =	sbarrier.arrive $0xFFFF  }
0x59: {  	_ =	shalt  }

</sc_bundles>
